<compile_context>
chip_gen: v7x
topology: tpu7x:2x2x1
jax: 0.10.2.dev20260603
libtpu: 0.0.44.dev20260713+nightly
codegen_flags: <defaults>
</compile_context>

<pallas_src>
import functools

import jax
import jax.numpy as jnp
from jax import lax
from jax.experimental import pallas as pl
from jax.experimental.pallas import tpu as pltpu
from jax.experimental.pallas import tpu_sc as plsc

_N_ROWS = 8192
_N_CODES = 8192
_DIM = 32
_BM = 8192
_BK = 2048
_CHUNK = 2048
_SUBS = _CHUNK // _BK
_BETA = 0.25


def _bf16_round(x):
    return x.astype(jnp.bfloat16).astype(jnp.float32)


def _vq_dist_argmin_body(z_ref, e_ref, zn_ref, en_ref, idx_ref, loss_ref,
                         acc_ref, pick_ref, vsel_ref, run_v_ref, run_i_ref,
                         lsum_ref):
    i = pl.program_id(0)
    j = pl.program_id(1)
    nj = pl.num_programs(1)

    zb = z_ref[...]
    eb = e_ref[...]
    zn = zn_ref[...]
    en = en_ref[...]

    t = lax.dot_general(eb, zb, (((1,), (1,)), ((), ())),
                        preferred_element_type=jnp.float32)
    d = (zn + en) + t

    cur_min = jnp.min(d, axis=0, keepdims=True)
    ids = lax.broadcasted_iota(jnp.int32, (_BK, _BM), 0)
    cur_idx = jnp.min(jnp.where(d == cur_min, ids, jnp.int32(2**30)),
                      axis=0, keepdims=True) + j * _BK

    @pl.when(j % _SUBS == 0)
    def _():
        run_v_ref[...] = cur_min
        run_i_ref[...] = cur_idx

    @pl.when(j % _SUBS > 0)
    def _():
        better = cur_min < run_v_ref[...]
        run_v_ref[...] = jnp.where(better, cur_min, run_v_ref[...])
        run_i_ref[...] = jnp.where(better, cur_idx, run_i_ref[...])

    @pl.when(j % _SUBS == _SUBS - 1)
    def _():
        run_v = run_v_ref[...]
        run_i = run_i_ref[...]

        @pl.when(j == _SUBS - 1)
        def _():
            acc_ref[...] = _bf16_round(run_v)
            pick_ref[...] = run_i
            vsel_ref[...] = run_v

        @pl.when(j > _SUBS - 1)
        def _():
            beat = run_v < acc_ref[...]
            acc_ref[...] = jnp.where(beat, _bf16_round(run_v), acc_ref[...])
            pick_ref[...] = jnp.where(beat, run_i, pick_ref[...])
            vsel_ref[...] = jnp.where(beat, run_v, vsel_ref[...])

    @pl.when(j == nj - 1)
    def _():
        idx_ref[...] = pick_ref[...].reshape(1, 1, _BM)
        blk = jnp.sum(vsel_ref[...])

        @pl.when(i == 0)
        def _():
            lsum_ref[0, 0] = blk

        @pl.when(i > 0)
        def _():
            lsum_ref[0, 0] = lsum_ref[0, 0] + blk

        @pl.when(i == pl.num_programs(0) - 1)
        def _():
            m = lsum_ref[0, 0] / jnp.float32(_N_ROWS * _DIM)
            loss_ref[0, 0] = jnp.float32(_BETA) * m + m


def _dist_argmin(zb, eb, zn, en):
    grid = (_N_ROWS // _BM, _N_CODES // _BK)
    idx3, loss = pl.pallas_call(
        _vq_dist_argmin_body,
        grid=grid,
        in_specs=[
            pl.BlockSpec((_BM, _DIM), lambda i, j: (i, 0)),
            pl.BlockSpec((_BK, _DIM), lambda i, j: (j, 0)),
            pl.BlockSpec((1, _BM), lambda i, j: (0, i)),
            pl.BlockSpec((_BK, 1), lambda i, j: (j, 0)),
        ],
        out_specs=[
            pl.BlockSpec((1, 1, _BM), lambda i, j: (i, 0, 0)),
            pl.BlockSpec(memory_space=pltpu.SMEM),
        ],
        out_shape=[
            jax.ShapeDtypeStruct((_N_ROWS // _BM, 1, _BM), jnp.int32),
            jax.ShapeDtypeStruct((1, 1), jnp.float32),
        ],
        scratch_shapes=[
            pltpu.VMEM((1, _BM), jnp.float32),
            pltpu.VMEM((1, _BM), jnp.int32),
            pltpu.VMEM((1, _BM), jnp.float32),
            pltpu.VMEM((1, _BM), jnp.float32),
            pltpu.VMEM((1, _BM), jnp.int32),
            pltpu.SMEM((1, 1), jnp.float32),
        ],
        compiler_params=pltpu.CompilerParams(
            dimension_semantics=("arbitrary", "arbitrary")),
    )(zb, eb, zn, en)
    return idx3.reshape(_N_ROWS), loss


_DPAD = 128


@functools.lru_cache(maxsize=1)
def _make_sc_gather():
    info = plsc.get_sparse_core_info()
    nc, ns = info.num_cores, info.num_subcores
    nw = nc * ns
    b_per_w = _N_ROWS // nw
    mesh = plsc.VectorSubcoreMesh(core_axis_name="c", subcore_axis_name="s")

    @functools.partial(
        pl.kernel, mesh=mesh,
        out_type=jax.ShapeDtypeStruct((_N_ROWS, _DPAD), jnp.float32),
        scratch_types=[
            pltpu.VMEM((b_per_w,), jnp.int32),
            pltpu.VMEM((b_per_w, _DPAD), jnp.float32),
            pltpu.SemaphoreType.DMA,
        ],
    )
    def gather(table_hbm, idx_hbm, out_hbm, idx_v, rows_v, sem):
        wid = lax.axis_index("s") * nc + lax.axis_index("c")
        base = wid * b_per_w
        pltpu.sync_copy(idx_hbm.at[pl.ds(base, b_per_w)], idx_v)
        pltpu.async_copy(table_hbm.at[idx_v], rows_v, sem).wait()
        pltpu.sync_copy(rows_v, out_hbm.at[pl.ds(base, b_per_w)])

    return gather


def kernel(z, embedding):
    b, c, h, w = z.shape
    z_flat = jnp.transpose(z, (0, 2, 3, 1)).reshape(-1, c)
    zn = jnp.sum(z_flat ** 2, axis=1, keepdims=True)
    en = jnp.sum(embedding ** 2, axis=1)
    zb = z_flat.astype(jnp.bfloat16)
    eb = embedding.astype(jnp.bfloat16) * jnp.bfloat16(-2.0)

    idx, loss = _dist_argmin(zb, eb,
                             zn.reshape(1, _N_ROWS), en.reshape(_N_CODES, 1))

    emb_pad = jnp.pad(embedding, ((0, 0), (0, _DPAD - _DIM)))
    zq_rows = _make_sc_gather()(emb_pad, idx)[:, :_DIM]

    zq = z_flat + lax.stop_gradient(zq_rows - z_flat)
    zq = jnp.transpose(zq.reshape(b, h, w, c), (0, 3, 1, 2))
    return (zq, loss.reshape(()))

# --- scband reference (transcript-rebuilt; emitter-appended) ---
"""Pipeline reference for scband-vector-quantizer-17257178596116 (READ-ONLY COPY).

The authoritative reference and input builder live on the scoring server;
editing this copy changes nothing except your own understanding.
"""

import jax, jax.numpy as jnp
import numpy as np

VQ_SIZE = 8192
VQ_DIM = 32
VQ_BETA = 0.25


def setup_inputs(seed: int = 0) -> dict:
    key = jax.random.key(seed)
    k_z, k_emb = jax.random.split(key)
    z = jax.random.normal(k_z, (8, 32, 32, 32), dtype=jnp.float32)
    embedding = jax.random.uniform(
        k_emb, (VQ_SIZE, VQ_DIM), dtype=jnp.float32,
        minval=-1.0 / VQ_SIZE, maxval=1.0 / VQ_SIZE)
    return {"z": z, "embedding": embedding}


def reference(z, embedding):
    original_shape = z.shape
    batch_size, num_channels = original_shape[0], original_shape[1]
    spatial_dims = original_shape[2:]
    # permute channels last, flatten
    perm = (0,) + tuple(range(2, z.ndim)) + (1,)
    z_permuted = jnp.transpose(z, perm)
    z_flattened = z_permuted.reshape(-1, num_channels)
    # squared distances to codebook entries
    d = (jnp.sum(z_flattened ** 2, axis=1, keepdims=True)
         + jnp.sum(embedding ** 2, axis=1)
         - 2.0 * jnp.einsum('bd,dn->bn', z_flattened, embedding.T))
    min_encoding_indices = jnp.argmin(d, axis=1)
    min_encoding_indices = min_encoding_indices.reshape((batch_size,) + spatial_dims)
    z_q = jnp.take(embedding, min_encoding_indices, axis=0)  # (B, *spatial, C)
    # move channel dim back to position 1
    inv_perm = (0, z_q.ndim - 1) + tuple(range(1, z_q.ndim - 1))
    z_q = jnp.transpose(z_q, inv_perm)
    loss = (VQ_BETA * jnp.mean((jax.lax.stop_gradient(z_q) - z) ** 2)
            + jnp.mean((z_q - jax.lax.stop_gradient(z)) ** 2))
    z_q = z + jax.lax.stop_gradient(z_q - z)
    z_q = z_q.reshape(original_shape)
    return (z_q, loss)

if __name__ == "__main__":
    import jax
    _d = setup_inputs()
    print(jax.jit(kernel)(*tuple(_d.values())))

</pallas_src>

<mosaic_0001>
#map = affine_map<(d0, d1) -> (0, 0)>
#map1 = affine_map<(d0, d1) -> (0)>
module attributes {stable_mosaic.version = 14 : i64} {
  func.func @gather(%arg0: i32, %arg1: i32, %arg2: memref<8192x128xf32, #tpu.memory_space<hbm>>, %arg3: memref<8192xi32, #tpu.memory_space<hbm>>, %arg4: memref<8192x128xf32, #tpu.memory_space<hbm>>, %arg5: memref<256xi32, #tpu.memory_space<vmem>>, %arg6: memref<256x128xf32, #tpu.memory_space<vmem>>, %arg7: memref<!tpu.dma_semaphore, #tpu.memory_space<semaphore_mem>>) attributes {dimension_semantics = [#tpu.dimension_semantics<core_parallel>, #tpu.dimension_semantics<subcore_parallel>], iteration_bounds = array<i64: 2, 16>, scalar_prefetch = 0 : i64, scratch_operands = 3 : i64, tpu.core_type = #tpu.core_type<sc_vector_subcore>, window_params = [{transform_indices = #map}, {transform_indices = #map1}, {transform_indices = #map}]} {
    %mul3A = arith.constant 2 : i32
    %mul3A_0 = arith.muli %arg1, %mul3A : i32
    %add3A = arith.addi %mul3A_0, %arg0 : i32
    %mul3A_1 = arith.constant 256 : i32
    %mul3A_2 = arith.muli %add3A, %mul3A_1 : i32
    "tpu.region"() ({
      %run_scoped3A = tpu.sem_alloc : memref<!tpu.dma_semaphore, #tpu.memory_space<semaphore_mem>>
      %dma_start3A_7 = tpu.memref_slice %arg3[%mul3A_2] : memref<8192xi32, #tpu.memory_space<hbm>> -> memref<256xi32, #tpu.memory_space<hbm>>
      %dma_start3A_8 = tpu.memref_slice %arg3[%mul3A_2] : memref<8192xi32, #tpu.memory_space<hbm>> -> memref<256xi32, #tpu.memory_space<hbm>>
      tpu.enqueue_dma source(%dma_start3A_8 : memref<256xi32, #tpu.memory_space<hbm>>) target(%arg5 : memref<256xi32, #tpu.memory_space<vmem>>) target_semaphore(%run_scoped3A : memref<!tpu.dma_semaphore, #tpu.memory_space<semaphore_mem>>)
      %dma_wait3A_9 = tpu.memref_slice %arg3[%mul3A_2] : memref<8192xi32, #tpu.memory_space<hbm>> -> memref<256xi32, #tpu.memory_space<hbm>>
      %dma_wait3A_10 = tpu.memref_slice %arg3[%mul3A_2] : memref<8192xi32, #tpu.memory_space<hbm>> -> memref<256xi32, #tpu.memory_space<hbm>>
      tpu.wait_dma2 semaphore(%run_scoped3A : memref<!tpu.dma_semaphore, #tpu.memory_space<semaphore_mem>>) src(%dma_wait3A_10 : memref<256xi32, #tpu.memory_space<hbm>>) dst(%arg5 : memref<256xi32, #tpu.memory_space<vmem>>)
      tpu.yield
    }) : () -> ()
    %dma_start3A = arith.constant 0 : i32
    %dma_start3A_3 = arith.constant 0 : i32
    %dma_start3A_4 = tpu.memref_slice %arg2[%dma_start3A, %dma_start3A_3] : memref<8192x128xf32, #tpu.memory_space<hbm>> -> memref<8192x128xf32, #tpu.memory_space<hbm>>
    tpu.enqueue_indirect_dma source(%dma_start3A_4 : memref<8192x128xf32, #tpu.memory_space<hbm>>) target(%arg6 : memref<256x128xf32, #tpu.memory_space<vmem>>) offsets(%arg5 : memref<256xi32, #tpu.memory_space<vmem>>) semaphore(%arg7 : memref<!tpu.dma_semaphore, #tpu.memory_space<semaphore_mem>>)
    %dma_wait3A = arith.constant 0 : i32
    %dma_wait3A_5 = arith.constant 0 : i32
    %dma_wait3A_6 = tpu.memref_slice %arg2[%dma_wait3A, %dma_wait3A_5] : memref<8192x128xf32, #tpu.memory_space<hbm>> -> memref<8192x128xf32, #tpu.memory_space<hbm>>
    tpu.wait_indirect_dma semaphore(%arg7 : memref<!tpu.dma_semaphore, #tpu.memory_space<semaphore_mem>>) src(%dma_wait3A_6 : memref<8192x128xf32, #tpu.memory_space<hbm>>) dst(%arg6 : memref<256x128xf32, #tpu.memory_space<vmem>>)
    "tpu.region"() ({
      %run_scoped3A = tpu.sem_alloc : memref<!tpu.dma_semaphore, #tpu.memory_space<semaphore_mem>>
      %dma_start3A_7 = arith.constant 0 : i32
      %dma_start3A_8 = tpu.memref_slice %arg4[%mul3A_2, %dma_start3A_7] : memref<8192x128xf32, #tpu.memory_space<hbm>> -> memref<256x128xf32, #tpu.memory_space<hbm>>
      %dma_start3A_9 = arith.constant 0 : i32
      %dma_start3A_10 = tpu.memref_slice %arg4[%mul3A_2, %dma_start3A_9] : memref<8192x128xf32, #tpu.memory_space<hbm>> -> memref<256x128xf32, #tpu.memory_space<hbm>>
      tpu.enqueue_dma source(%arg6 : memref<256x128xf32, #tpu.memory_space<vmem>>) target(%dma_start3A_10 : memref<256x128xf32, #tpu.memory_space<hbm>>) target_semaphore(%run_scoped3A : memref<!tpu.dma_semaphore, #tpu.memory_space<semaphore_mem>>)
      %dma_wait3A_11 = arith.constant 0 : i32
      %dma_wait3A_12 = tpu.memref_slice %arg4[%mul3A_2, %dma_wait3A_11] : memref<8192x128xf32, #tpu.memory_space<hbm>> -> memref<256x128xf32, #tpu.memory_space<hbm>>
      %dma_wait3A_13 = arith.constant 0 : i32
      %dma_wait3A_14 = tpu.memref_slice %arg4[%mul3A_2, %dma_wait3A_13] : memref<8192x128xf32, #tpu.memory_space<hbm>> -> memref<256x128xf32, #tpu.memory_space<hbm>>
      tpu.wait_dma2 semaphore(%run_scoped3A : memref<!tpu.dma_semaphore, #tpu.memory_space<semaphore_mem>>) src(%arg6 : memref<256x128xf32, #tpu.memory_space<vmem>>) dst(%dma_wait3A_14 : memref<256x128xf32, #tpu.memory_space<hbm>>)
      tpu.yield
    }) : () -> ()
    return
  }
}

module attributes {stable_mosaic.version = 14 : i64} {
  func.func @_vq_dist_argmin_body(%arg0: i32, %arg1: i32, %arg2: memref<8192x32xbf16, #tpu.memory_space<vmem>>, %arg3: memref<2048x32xbf16, #tpu.memory_space<vmem>>, %arg4: memref<1x8192xf32, #tpu.memory_space<vmem>>, %arg5: memref<2048x1xf32, #tpu.memory_space<vmem>>, %arg6: memref<1x1x8192xi32, #tpu.memory_space<vmem>>, %arg7: memref<1x1xf32, #tpu.memory_space<smem>>, %arg8: memref<1x8192xf32, #tpu.memory_space<vmem>>, %arg9: memref<1x8192xi32, #tpu.memory_space<vmem>>, %arg10: memref<1x8192xf32, #tpu.memory_space<vmem>>, %arg11: memref<1x8192xf32, #tpu.memory_space<vmem>>, %arg12: memref<1x8192xi32, #tpu.memory_space<vmem>>, %arg13: memref<1x1xf32, #tpu.memory_space<smem>>) attributes {dimension_semantics = [#tpu.dimension_semantics<arbitrary>, #tpu.dimension_semantics<arbitrary>], iteration_bounds = array<i64: 1, 4>, scalar_prefetch = 0 : i64, scratch_operands = 6 : i64, tpu.core_type = #tpu.core_type<tc>, window_params = [{transform_indices = @transform_0, window_bounds = array<i64: 8192, 32>}, {transform_indices = @transform_1, window_bounds = array<i64: 2048, 32>}, {transform_indices = @transform_2, window_bounds = array<i64: 1, 8192>}, {transform_indices = @transform_3, window_bounds = array<i64: 2048, 1>}, {transform_indices = @transform_4, window_bounds = array<i64: 1, 1, 8192>}, {transform_indices = @transform_5, window_bounds = array<i64: 1, 1>}]} {
    %get3A = arith.constant 0 : index
    %get3A_0 = arith.constant 0 : index
    %get3A_1 = vector.load %arg2[%get3A, %get3A_0] : memref<8192x32xbf16, #tpu.memory_space<vmem>>, vector<8192x32xbf16>
    %get3A_2 = arith.constant 0 : index
    %get3A_3 = arith.constant 0 : index
    %get3A_4 = vector.load %arg3[%get3A_2, %get3A_3] : memref<2048x32xbf16, #tpu.memory_space<vmem>>, vector<2048x32xbf16>
    %get3A_5 = arith.constant 0 : index
    %get3A_6 = arith.constant 0 : index
    %get3A_7 = vector.load %arg4[%get3A_5, %get3A_6] : memref<1x8192xf32, #tpu.memory_space<vmem>>, vector<1x8192xf32>
    %get3A_8 = arith.constant 0 : index
    %get3A_9 = arith.constant 0 : index
    %get3A_10 = vector.load %arg5[%get3A_8, %get3A_9] : memref<2048x1xf32, #tpu.memory_space<vmem>>, vector<2048x1xf32>
    %dot_general3A = arith.constant dense<0.000000e+00> : vector<2048x8192xf32>
    %dot_general3A_11 = tpu.matmul %get3A_4, %get3A_1, %dot_general3A {dimension_numbers = #tpu.dot_dimension_numbers<[1], [1], [0], [0], [0, 0, 1, 0], [], []>, transpose_lhs_hint = false} : vector<2048x32xbf16>, vector<8192x32xbf16>, vector<2048x8192xf32> -> vector<2048x8192xf32>
    %add3A = vector.broadcast %get3A_7 : vector<1x8192xf32> to vector<2048x8192xf32>
    %add3A_12 = vector.broadcast %get3A_10 : vector<2048x1xf32> to vector<2048x8192xf32>
    %add3A_13 = arith.addf %add3A, %add3A_12 : vector<2048x8192xf32>
    %add3A_14 = arith.addf %add3A_13, %dot_general3A_11 : vector<2048x8192xf32>
    %reduce_min3A = arith.constant dense<0x7F800000> : vector<8192xf32>
    %reduce_min3A_15 = vector.multi_reduction <minimumf>, %add3A_14, %reduce_min3A [0] : vector<2048x8192xf32> to vector<8192xf32>
    %broadcast_in_dim3A = vector.shape_cast %reduce_min3A_15 : vector<8192xf32> to vector<1x8192xf32>
    %iota3A = tpu.iota {dimensions = array<i32: 0>} : vector<2048x8192xi32>
    %eq3A = vector.broadcast %broadcast_in_dim3A : vector<1x8192xf32> to vector<2048x8192xf32>
    %eq3A_16 = arith.cmpf oeq, %add3A_14, %eq3A : vector<2048x8192xf32>
    %jit3A = arith.constant 1073741824 : i32
    %broadcast_in_dim3A_17 = vector.broadcast %jit3A : i32 to vector<2048x8192xi32>
    %select_n3A = arith.select %eq3A_16, %iota3A, %broadcast_in_dim3A_17 : vector<2048x8192xi1>, vector<2048x8192xi32>
    %reduce_min3A_18 = arith.constant dense<2147483647> : vector<8192xi32>
    %reduce_min3A_19 = vector.multi_reduction <minsi>, %select_n3A, %reduce_min3A_18 [0] : vector<2048x8192xi32> to vector<8192xi32>
    %broadcast_in_dim3A_20 = vector.shape_cast %reduce_min3A_19 : vector<8192xi32> to vector<1x8192xi32>
    %mul3A = arith.constant 2048 : i32
    %mul3A_21 = arith.muli %arg1, %mul3A : i32
    %add3A_22 = vector.broadcast %mul3A_21 : i32 to vector<1x8192xi32>
    %add3A_23 = arith.addi %broadcast_in_dim3A_20, %add3A_22 : vector<1x8192xi32>
    %jit3A_24 = arith.constant 1 : i32
    %eq3A_25 = arith.constant 0 : i32
    %eq3A_26 = arith.cmpi eq, %jit3A_24, %eq3A_25 : i32
    %jit3A_27 = arith.constant 1 : i32
    %select_n3A_28 = arith.select %eq3A_26, %jit3A_27, %jit3A_24 : i32
    %rem3A = arith.remsi %arg1, %select_n3A_28 : i32
    %ne3A = arith.constant 0 : i32
    %ne3A_29 = arith.cmpi ne, %rem3A, %ne3A : i32
    %lt3A = arith.constant 0 : i32
    %lt3A_30 = arith.cmpi slt, %rem3A, %lt3A : i32
    %lt3A_31 = arith.constant 0 : i32
    %lt3A_32 = arith.cmpi slt, %select_n3A_28, %lt3A_31 : i32
    %ne3A_33 = arith.xori %lt3A_30, %lt3A_32 : i1
    %and3A = arith.andi %ne3A_33, %ne3A_29 : i1
    %add3A_34 = arith.addi %rem3A, %select_n3A_28 : i32
    %select_n3A_35 = arith.select %and3A, %add3A_34, %rem3A : i32
    %eq3A_36 = arith.constant 0 : i32
    %eq3A_37 = arith.cmpi eq, %select_n3A_35, %eq3A_36 : i32
    %convert_element_type3A = arith.extui %eq3A_37 : i1 to i32
    %cond3A = arith.constant 0 : i32
    %cond3A_38 = arith.cmpi ne, %convert_element_type3A, %cond3A : i32
    scf.if %cond3A_38 {
      %swap3A = arith.constant 0 : index
      %swap3A_85 = arith.constant 0 : index
      %swap3A_86 = vector.load %arg11[%swap3A, %swap3A_85] : memref<1x8192xf32, #tpu.memory_space<vmem>>, vector<1x8192xf32>
      tpu.vector_store %arg11[%swap3A, %swap3A_85], %broadcast_in_dim3A {strides = array<i32>} : memref<1x8192xf32, #tpu.memory_space<vmem>>, vector<1x8192xf32>,
      %swap3A_87 = arith.constant 0 : index
      %swap3A_88 = arith.constant 0 : index
      %swap3A_89 = vector.load %arg12[%swap3A_87, %swap3A_88] : memref<1x8192xi32, #tpu.memory_space<vmem>>, vector<1x8192xi32>
      tpu.vector_store %arg12[%swap3A_87, %swap3A_88], %add3A_23 {strides = array<i32>} : memref<1x8192xi32, #tpu.memory_space<vmem>>, vector<1x8192xi32>,
    } else {
    }
    %jit3A_39 = arith.constant 1 : i32
    %eq3A_40 = arith.constant 0 : i32
    %eq3A_41 = arith.cmpi eq, %jit3A_39, %eq3A_40 : i32
    %jit3A_42 = arith.constant 1 : i32
    %select_n3A_43 = arith.select %eq3A_41, %jit3A_42, %jit3A_39 : i32
    %rem3A_44 = arith.remsi %arg1, %select_n3A_43 : i32
    %ne3A_45 = arith.constant 0 : i32
    %ne3A_46 = arith.cmpi ne, %rem3A_44, %ne3A_45 : i32
    %lt3A_47 = arith.constant 0 : i32
    %lt3A_48 = arith.cmpi slt, %rem3A_44, %lt3A_47 : i32
    %lt3A_49 = arith.constant 0 : i32
    %lt3A_50 = arith.cmpi slt, %select_n3A_43, %lt3A_49 : i32
    %ne3A_51 = arith.xori %lt3A_48, %lt3A_50 : i1
    %and3A_52 = arith.andi %ne3A_51, %ne3A_46 : i1
    %add3A_53 = arith.addi %rem3A_44, %select_n3A_43 : i32
    %select_n3A_54 = arith.select %and3A_52, %add3A_53, %rem3A_44 : i32
    %gt3A = arith.constant 0 : i32
    %gt3A_55 = arith.cmpi sgt, %select_n3A_54, %gt3A : i32
    %convert_element_type3A_56 = arith.extui %gt3A_55 : i1 to i32
    %cond3A_57 = arith.constant 0 : i32
    %cond3A_58 = arith.cmpi ne, %convert_element_type3A_56, %cond3A_57 : i32
    scf.if %cond3A_58 {
      %get3A_85 = arith.constant 0 : index
      %get3A_86 = arith.constant 0 : index
      %get3A_87 = vector.load %arg11[%get3A_85, %get3A_86] : memref<1x8192xf32, #tpu.memory_space<vmem>>, vector<1x8192xf32>
      %lt3A_88 = arith.cmpf olt, %broadcast_in_dim3A, %get3A_87 : vector<1x8192xf32>
      %get3A_89 = arith.constant 0 : index
      %get3A_90 = arith.constant 0 : index
      %get3A_91 = vector.load %arg11[%get3A_89, %get3A_90] : memref<1x8192xf32, #tpu.memory_space<vmem>>, vector<1x8192xf32>
      %select_n3A_92 = arith.select %lt3A_88, %broadcast_in_dim3A, %get3A_91 : vector<1x8192xi1>, vector<1x8192xf32>
      %swap3A = arith.constant 0 : index
      %swap3A_93 = arith.constant 0 : index
      %swap3A_94 = vector.load %arg11[%swap3A, %swap3A_93] : memref<1x8192xf32, #tpu.memory_space<vmem>>, vector<1x8192xf32>
      tpu.vector_store %arg11[%swap3A, %swap3A_93], %select_n3A_92 {strides = array<i32>} : memref<1x8192xf32, #tpu.memory_space<vmem>>, vector<1x8192xf32>,
      %get3A_95 = arith.constant 0 : index
      %get3A_96 = arith.constant 0 : index
      %get3A_97 = vector.load %arg12[%get3A_95, %get3A_96] : memref<1x8192xi32, #tpu.memory_space<vmem>>, vector<1x8192xi32>
      %select_n3A_98 = arith.select %lt3A_88, %add3A_23, %get3A_97 : vector<1x8192xi1>, vector<1x8192xi32>
      %swap3A_99 = arith.constant 0 : index
      %swap3A_100 = arith.constant 0 : index
      %swap3A_101 = vector.load %arg12[%swap3A_99, %swap3A_100] : memref<1x8192xi32, #tpu.memory_space<vmem>>, vector<1x8192xi32>
      tpu.vector_store %arg12[%swap3A_99, %swap3A_100], %select_n3A_98 {strides = array<i32>} : memref<1x8192xi32, #tpu.memory_space<vmem>>, vector<1x8192xi32>,
    } else {
    }
    %jit3A_59 = arith.constant 1 : i32
    %eq3A_60 = arith.constant 0 : i32
    %eq3A_61 = arith.cmpi eq, %jit3A_59, %eq3A_60 : i32
    %jit3A_62 = arith.constant 1 : i32
    %select_n3A_63 = arith.select %eq3A_61, %jit3A_62, %jit3A_59 : i32
    %rem3A_64 = arith.remsi %arg1, %select_n3A_63 : i32
    %ne3A_65 = arith.constant 0 : i32
    %ne3A_66 = arith.cmpi ne, %rem3A_64, %ne3A_65 : i32
    %lt3A_67 = arith.constant 0 : i32
    %lt3A_68 = arith.cmpi slt, %rem3A_64, %lt3A_67 : i32
    %lt3A_69 = arith.constant 0 : i32
    %lt3A_70 = arith.cmpi slt, %select_n3A_63, %lt3A_69 : i32
    %ne3A_71 = arith.xori %lt3A_68, %lt3A_70 : i1
    %and3A_72 = arith.andi %ne3A_71, %ne3A_66 : i1
    %add3A_73 = arith.addi %rem3A_64, %select_n3A_63 : i32
    %select_n3A_74 = arith.select %and3A_72, %add3A_73, %rem3A_64 : i32
    %eq3A_75 = arith.constant 0 : i32
    %eq3A_76 = arith.cmpi eq, %select_n3A_74, %eq3A_75 : i32
    %convert_element_type3A_77 = arith.extui %eq3A_76 : i1 to i32
    %cond3A_78 = arith.constant 0 : i32
    %cond3A_79 = arith.cmpi ne, %convert_element_type3A_77, %cond3A_78 : i32
    scf.if %cond3A_79 {
      %get3A_85 = arith.constant 0 : index
      %get3A_86 = arith.constant 0 : index
      %get3A_87 = vector.load %arg11[%get3A_85, %get3A_86] : memref<1x8192xf32, #tpu.memory_space<vmem>>, vector<1x8192xf32>
      %get3A_88 = arith.constant 0 : index
      %get3A_89 = arith.constant 0 : index
      %get3A_90 = vector.load %arg12[%get3A_88, %get3A_89] : memref<1x8192xi32, #tpu.memory_space<vmem>>, vector<1x8192xi32>
      %eq3A_91 = arith.constant 0 : i32
      %eq3A_92 = arith.cmpi eq, %arg1, %eq3A_91 : i32
      %convert_element_type3A_93 = arith.extui %eq3A_92 : i1 to i32
      %cond3A_94 = arith.constant 0 : i32
      %cond3A_95 = arith.cmpi ne, %convert_element_type3A_93, %cond3A_94 : i32
      scf.if %cond3A_95 {
        %convert_element_type3A_101 = arith.truncf %get3A_87 : vector<1x8192xf32> to vector<1x8192xbf16>
        %convert_element_type3A_102 = arith.extf %convert_element_type3A_101 : vector<1x8192xbf16> to vector<1x8192xf32>
        %swap3A = arith.constant 0 : index
        %swap3A_103 = arith.constant 0 : index
        %swap3A_104 = vector.load %arg8[%swap3A, %swap3A_103] : memref<1x8192xf32, #tpu.memory_space<vmem>>, vector<1x8192xf32>
        tpu.vector_store %arg8[%swap3A, %swap3A_103], %convert_element_type3A_102 {strides = array<i32>} : memref<1x8192xf32, #tpu.memory_space<vmem>>, vector<1x8192xf32>,
        %swap3A_105 = arith.constant 0 : index
        %swap3A_106 = arith.constant 0 : index
        %swap3A_107 = vector.load %arg9[%swap3A_105, %swap3A_106] : memref<1x8192xi32, #tpu.memory_space<vmem>>, vector<1x8192xi32>
        tpu.vector_store %arg9[%swap3A_105, %swap3A_106], %get3A_90 {strides = array<i32>} : memref<1x8192xi32, #tpu.memory_space<vmem>>, vector<1x8192xi32>,
        %swap3A_108 = arith.constant 0 : index
        %swap3A_109 = arith.constant 0 : index
        %swap3A_110 = vector.load %arg10[%swap3A_108, %swap3A_109] : memref<1x8192xf32, #tpu.memory_space<vmem>>, vector<1x8192xf32>
        tpu.vector_store %arg10[%swap3A_108, %swap3A_109], %get3A_87 {strides = array<i32>} : memref<1x8192xf32, #tpu.memory_space<vmem>>, vector<1x8192xf32>,
      } else {
      }
      %gt3A_96 = arith.constant 0 : i32
      %gt3A_97 = arith.cmpi sgt, %arg1, %gt3A_96 : i32
      %convert_element_type3A_98 = arith.extui %gt3A_97 : i1 to i32
      %cond3A_99 = arith.constant 0 : i32
      %cond3A_100 = arith.cmpi ne, %convert_element_type3A_98, %cond3A_99 : i32
      scf.if %cond3A_100 {
        %get3A_101 = arith.constant 0 : index
        %get3A_102 = arith.constant 0 : index
        %get3A_103 = vector.load %arg8[%get3A_101, %get3A_102] : memref<1x8192xf32, #tpu.memory_space<vmem>>, vector<1x8192xf32>
        %lt3A_104 = arith.cmpf olt, %get3A_87, %get3A_103 : vector<1x8192xf32>
        %convert_element_type3A_105 = arith.truncf %get3A_87 : vector<1x8192xf32> to vector<1x8192xbf16>
        %convert_element_type3A_106 = arith.extf %convert_element_type3A_105 : vector<1x8192xbf16> to vector<1x8192xf32>
        %get3A_107 = arith.constant 0 : index
        %get3A_108 = arith.constant 0 : index
        %get3A_109 = vector.load %arg8[%get3A_107, %get3A_108] : memref<1x8192xf32, #tpu.memory_space<vmem>>, vector<1x8192xf32>
        %select_n3A_110 = arith.select %lt3A_104, %convert_element_type3A_106, %get3A_109 : vector<1x8192xi1>, vector<1x8192xf32>
        %swap3A = arith.constant 0 : index
        %swap3A_111 = arith.constant 0 : index
        %swap3A_112 = vector.load %arg8[%swap3A, %swap3A_111] : memref<1x8192xf32, #tpu.memory_space<vmem>>, vector<1x8192xf32>
        tpu.vector_store %arg8[%swap3A, %swap3A_111], %select_n3A_110 {strides = array<i32>} : memref<1x8192xf32, #tpu.memory_space<vmem>>, vector<1x8192xf32>,
        %get3A_113 = arith.constant 0 : index
        %get3A_114 = arith.constant 0 : index
        %get3A_115 = vector.load %arg9[%get3A_113, %get3A_114] : memref<1x8192xi32, #tpu.memory_space<vmem>>, vector<1x8192xi32>
        %select_n3A_116 = arith.select %lt3A_104, %get3A_90, %get3A_115 : vector<1x8192xi1>, vector<1x8192xi32>
        %swap3A_117 = arith.constant 0 : index
        %swap3A_118 = arith.constant 0 : index
        %swap3A_119 = vector.load %arg9[%swap3A_117, %swap3A_118] : memref<1x8192xi32, #tpu.memory_space<vmem>>, vector<1x8192xi32>
        tpu.vector_store %arg9[%swap3A_117, %swap3A_118], %select_n3A_116 {strides = array<i32>} : memref<1x8192xi32, #tpu.memory_space<vmem>>, vector<1x8192xi32>,
        %get3A_120 = arith.constant 0 : index
        %get3A_121 = arith.constant 0 : index
        %get3A_122 = vector.load %arg10[%get3A_120, %get3A_121] : memref<1x8192xf32, #tpu.memory_space<vmem>>, vector<1x8192xf32>
        %select_n3A_123 = arith.select %lt3A_104, %get3A_87, %get3A_122 : vector<1x8192xi1>, vector<1x8192xf32>
        %swap3A_124 = arith.constant 0 : index
        %swap3A_125 = arith.constant 0 : index
        %swap3A_126 = vector.load %arg10[%swap3A_124, %swap3A_125] : memref<1x8192xf32, #tpu.memory_space<vmem>>, vector<1x8192xf32>
        tpu.vector_store %arg10[%swap3A_124, %swap3A_125], %select_n3A_123 {strides = array<i32>} : memref<1x8192xf32, #tpu.memory_space<vmem>>, vector<1x8192xf32>,
      } else {
      }
    } else {
    }
    %eq3A_80 = arith.constant 3 : i32
    %eq3A_81 = arith.cmpi eq, %arg1, %eq3A_80 : i32
    %convert_element_type3A_82 = arith.extui %eq3A_81 : i1 to i32
    %cond3A_83 = arith.constant 0 : i32
    %cond3A_84 = arith.cmpi ne, %convert_element_type3A_82, %cond3A_83 : i32
    scf.if %cond3A_84 {
      %get3A_85 = arith.constant 0 : index
      %get3A_86 = arith.constant 0 : index
      %get3A_87 = vector.load %arg9[%get3A_85, %get3A_86] : memref<1x8192xi32, #tpu.memory_space<vmem>>, vector<1x8192xi32>
      %reshape3A = vector.shape_cast %get3A_87 : vector<1x8192xi32> to vector<1x1x8192xi32>
      %swap3A = arith.constant 0 : index
      %swap3A_88 = arith.constant 0 : index
      %swap3A_89 = arith.constant 0 : index
      %swap3A_90 = vector.load %arg6[%swap3A, %swap3A_88, %swap3A_89] : memref<1x1x8192xi32, #tpu.memory_space<vmem>>, vector<1x1x8192xi32>
      tpu.vector_store %arg6[%swap3A, %swap3A_88, %swap3A_89], %reshape3A {strides = array<i32>} : memref<1x1x8192xi32, #tpu.memory_space<vmem>>, vector<1x1x8192xi32>,
      %get3A_91 = arith.constant 0 : index
      %get3A_92 = arith.constant 0 : index
      %get3A_93 = vector.load %arg10[%get3A_91, %get3A_92] : memref<1x8192xf32, #tpu.memory_space<vmem>>, vector<1x8192xf32>
      %reduce_sum3A = vector.shape_cast %get3A_93 : vector<1x8192xf32> to vector<1x1x8192xf32>
      %reduce_sum3A_94 = arith.constant dense<0.000000e+00> : vector<1xf32>
      %reduce_sum3A_95 = vector.multi_reduction <add>, %reduce_sum3A, %reduce_sum3A_94 [1, 2] : vector<1x1x8192xf32> to vector<1xf32>
      %reduce_sum3A_96 = vector.shape_cast %reduce_sum3A_95 : vector<1xf32> to vector<1x1x1xf32>
      %reduce_sum3A_97 = vector.extract %reduce_sum3A_96[0, 0, 0] : f32 from vector<1x1x1xf32>
      %eq3A_98 = arith.constant 0 : i32
      %eq3A_99 = arith.cmpi eq, %arg0, %eq3A_98 : i32
      %convert_element_type3A_100 = arith.extui %eq3A_99 : i1 to i32
      %cond3A_101 = arith.constant 0 : i32
      %cond3A_102 = arith.cmpi ne, %convert_element_type3A_100, %cond3A_101 : i32
      scf.if %cond3A_102 {
        %swap3A_113 = arith.constant 0 : index
        %swap3A_114 = arith.constant 0 : index
        %swap3A_115 = memref.load %arg13[%swap3A_113, %swap3A_114] : memref<1x1xf32, #tpu.memory_space<smem>>
        memref.store %reduce_sum3A_97, %arg13[%swap3A_113, %swap3A_114] : memref<1x1xf32, #tpu.memory_space<smem>>
      } else {
      }
      %gt3A_103 = arith.constant 0 : i32
      %gt3A_104 = arith.cmpi sgt, %arg0, %gt3A_103 : i32
      %convert_element_type3A_105 = arith.extui %gt3A_104 : i1 to i32
      %cond3A_106 = arith.constant 0 : i32
      %cond3A_107 = arith.cmpi ne, %convert_element_type3A_105, %cond3A_106 : i32
      scf.if %cond3A_107 {
        %get3A_113 = arith.constant 0 : index
        %get3A_114 = arith.constant 0 : index
        %get3A_115 = memref.load %arg13[%get3A_113, %get3A_114] : memref<1x1xf32, #tpu.memory_space<smem>>
        %add3A_116 = arith.addf %get3A_115, %reduce_sum3A_97 : f32
        %swap3A_117 = arith.constant 0 : index
        %swap3A_118 = arith.constant 0 : index
        %swap3A_119 = memref.load %arg13[%swap3A_117, %swap3A_118] : memref<1x1xf32, #tpu.memory_space<smem>>
        memref.store %add3A_116, %arg13[%swap3A_117, %swap3A_118] : memref<1x1xf32, #tpu.memory_space<smem>>
      } else {
      }
      %eq3A_108 = arith.constant 0 : i32
      %eq3A_109 = arith.cmpi eq, %arg0, %eq3A_108 : i32
      %convert_element_type3A_110 = arith.extui %eq3A_109 : i1 to i32
      %cond3A_111 = arith.constant 0 : i32
      %cond3A_112 = arith.cmpi ne, %convert_element_type3A_110, %cond3A_111 : i32
      scf.if %cond3A_112 {
        %get3A_113 = arith.constant 0 : index
        %get3A_114 = arith.constant 0 : index
        %get3A_115 = memref.load %arg13[%get3A_113, %get3A_114] : memref<1x1xf32, #tpu.memory_space<smem>>
        %div3A = arith.constant 2.621440e+05 : f32
        %div3A_116 = arith.divf %get3A_115, %div3A : f32
        %mul3A_117 = arith.constant 2.500000e-01 : f32
        %mul3A_118 = arith.mulf %mul3A_117, %div3A_116 : f32
        %add3A_119 = arith.addf %mul3A_118, %div3A_116 : f32
        %swap3A_120 = arith.constant 0 : index
        %swap3A_121 = arith.constant 0 : index
        %swap3A_122 = memref.load %arg7[%swap3A_120, %swap3A_121] : memref<1x1xf32, #tpu.memory_space<smem>>
        memref.store %add3A_119, %arg7[%swap3A_120, %swap3A_121] : memref<1x1xf32, #tpu.memory_space<smem>>
      } else {
      }
    } else {
    }
    return
  }
  func.func @transform_0(%arg0: i32, %arg1: i32) -> (i32, i32) {
    %c0_i32 = arith.constant 0 : i32
    %c0_i32_0 = arith.constant 0 : i32
    return %arg0, %c0_i32 : i32, i32
  }
  func.func @transform_1(%arg0: i32, %arg1: i32) -> (i32, i32) {
    %c0_i32 = arith.constant 0 : i32
    %c0_i32_0 = arith.constant 0 : i32
    return %arg1, %c0_i32 : i32, i32
  }
  func.func @transform_2(%arg0: i32, %arg1: i32) -> (i32, i32) {
    %c0_i32 = arith.constant 0 : i32
    %c0_i32_0 = arith.constant 0 : i32
    return %c0_i32, %arg0 : i32, i32
  }
  func.func @transform_3(%arg0: i32, %arg1: i32) -> (i32, i32) {
    %c0_i32 = arith.constant 0 : i32
    %c0_i32_0 = arith.constant 0 : i32
    return %arg1, %c0_i32 : i32, i32
  }
  func.func @transform_4(%arg0: i32, %arg1: i32) -> (i32, i32, i32) {
    %c0_i32 = arith.constant 0 : i32
    %c0_i32_0 = arith.constant 0 : i32
    %c0_i32_1 = arith.constant 0 : i32
    return %arg0, %c0_i32, %c0_i32_0 : i32, i32, i32
  }
  func.func @transform_5(%arg0: i32, %arg1: i32) -> (i32, i32) {
    %c0_i32 = arith.constant 0 : i32
    %c0_i32_0 = arith.constant 0 : i32
    %c0_i32_1 = arith.constant 0 : i32
    return %c0_i32, %c0_i32_0 : i32, i32
  }
}

</mosaic_0001>

<sc_bundles>
// kernel: kernel.4.cloned.1.call-start
scs
__scs_entry_jumppad:
0x0: {  	(pc) =	sbr.rel $0x88, $3  }
0x1: {  	(tag) =	ssettag $0x0;
	lr =	simm.s32 $0x1  }
0x2: {  	[smem:$0x3F9F] =	sst lr;
	_ =	strace $0xD0000000  }
0x3: {  	_ = 	snop  }
0x4: {  	_ = 	snop  }
0x5: {  	_ = 	snop  }
0x6: {  	_ = 	snop  }
0x7: {  	_ = 	snop  }
__scs_overlays_trampoline_lowered:
0x8: {  	[smem:$0x3FAE] =	sst s0  }
0x9: {  	[smem:$0x3FAF] =	sst s1  }
0xa: {  	[smem:$0x3FB0] =	sst s2  }
0xb: {  	[smem:$0x3FB1] =	sst s3  }
0xc: {  	[smem:$0x3FB2] =	sst s4  }
0xd: {  	[smem:$0x3FB3] =	sst s5  }
0xe: {  	[smem:$0x3FB4] =	sst s6  }
0xf: {  	[smem:$0x3FB5] =	sst s7  }
0x10: {  	[smem:$0x3FB6] =	sst s8  }
0x11: {  	[smem:$0x3FB7] =	sst s9;
	s0 =	simm.s32 @!p0 $0x0  }
0x12: {  	s1 =	sld [smem:$0x3F9D];
	s0 =	simm.s32 @p0 $0x1  }
0x13: {  	[smem:$0x3FB8] =	sst s0;
	s0 =	simm.s32 @!p1 $0x0  }
0x14: {  	s2 =	sld [smem:$0x3F9C];
	s0 =	simm.s32 @p1 $0x1  }
0x15: {  	[smem:$0x3FB9] =	sst s0;
	s0 =	simm.s32 @!p2 $0x0  }
0x16: {  	s3 =	sld [smem:$0x3FDB];
	s0 =	simm.s32 @p2 $0x1  }
0x17: {  	s4 =	simm.s32 $0x1BF5;
	[smem:$0x3FBB] =	sst s0  }
0x18: {  	s0 =	sld [smem:$0x3F9E];
	_ =	swait.ge [sflag:s4], $0x0  }
0x19: {  	s7 =	sld [smem:$0x3F9F]  }
0x1a: {  	s8 =	sadd.s32 $0xFFFFE003, lr  }
0x1b: {  	s9 =	sadd.s32 $0xFFFFFEF7, lr;
	s5 =	simm.s32 $0xFFFFFFFF;
	p2 =	slt.u32 s8, $0xFFFFF086  }
0x1c: {  	p1 =	slt.u32 s9, $0xF7A;
	s5 =	simm.s32 @!p2 $0x0  }
0x1d: {  	s5 =	simm.s32 @p1 $0x1;
	p0 =	seq.s32 s7, s2  }
0x1e: {  	s7 =	smul.u32 @!p0 $0xF7A, s2;
	p2 =	seq.s32 @!p0 s5, $0x0  }
0x1f: {  	s9 =	smul.u32 $0xF7A, s1;
	s8 =	simm.s32 @!p0 $0x1BF5;
	p2 =	por !p2, p0  }
0x20: {  	[sflag:s8] =	ssyncset.s32 @!p0 $0xFFFFF086;
	s6 =	sadd.s32 @!p0 s3, s7;
	s7 =	simm.s32 @!p0 $0x108  }
0x21: {  	s3 =	sadd.s32 s3, s9;
	s6 =	sadd.s32 @!p0 $0x88, s6;
	s7 =	simm.s32 @p2 $0x1082  }
0x22: {  	[simem:s7], [sflag:s8] =	dma.local @!p0 [hbm:s6], $0xF7A  }
0x23: {  	s9 =	sor.u32 $0xD0000000, s2;
	s6 =	simm.s32 $0x108;
	_ =	swait.ge @!p0 [sflag:s8], $0x0  }
0x24: {  	s3 =	sadd.s32 $0x88, s3;
	s6 =	simm.s32 @!p1 $0x1082;
	[sflag:s4] =	ssyncset.s32 $0xFFFFF086  }
0x25: {  	[simem:s6], [sflag:s4] =	dma.local [hbm:s3], $0xF7A  }
0x26: {  	[smem:$0x3F9F] =	sst s1;
	(tag) =	ssettag s2;
	_ =	strace s9  }
0x27: {  	s1 =	sld [smem:$0x3FAF]  }
0x28: {  	s2 =	sld [smem:$0x3FB0]  }
0x29: {  	s4 =	sld [smem:$0x3FB2]  }
0x2a: {  	p0 =	seq.s32 s5, $0x0;
	s5 =	sld [smem:$0x3FB3]  }
0x2b: {  	s6 =	sld [smem:$0x3FB4]  }
0x2c: {  	s7 =	sld [smem:$0x3FB5]  }
0x2d: {  	s3 =	simm.s32 $0x108;
	s8 =	sld [smem:$0x3FB6]  }
0x2e: {  	s3 =	simm.s32 @!p0 $0x1082;
	s9 =	sld [smem:$0x3FB7]  }
0x2f: {  	lr =	sadd.s32 s0, s3;
	s0 =	sld [smem:$0x3FAE]  }
0x30: {  	s3 =	sld [smem:$0x3FB1]  }
0x31: {  	[smem:$0x3FBA] =	sst s10  }
0x32: {  	s10 =	sld [smem:$0x3FB8];
	_ =	sdelay $0x3  }
0x33: {  	p0 =	seq.s32 s10, $0x1;
	s10 =	sld [smem:$0x3FBA];
	_ =	sdelay $0x3  }
0x34: {  	[smem:$0x3FBA] =	sst s10  }
0x35: {  	s10 =	sld [smem:$0x3FB9];
	_ =	sdelay $0x3  }
0x36: {  	p1 =	seq.s32 s10, $0x1;
	s10 =	sld [smem:$0x3FBA];
	_ =	sdelay $0x3  }
0x37: {  	[smem:$0x3FBA] =	sst s10  }
0x38: {  	s10 =	sld [smem:$0x3FBB]  }
0x39: {  	_ = 	snop;
	(pc) =	sbr.ind lr, $3  }
0x3a: {  	_ = 	snop  }
0x3b: {  	_ = 	snop  }
0x3c: {  	p2 =	seq.s32 s10, $0x1;
	s10 =	sld [smem:$0x3FBA]  }
0x3d: {  	_ =	shalt  }
0x3e: {  	_ =	shalt  }
0x3f: {  	_ =	shalt  }
0x40: {  	_ =	shalt  }
0x41: {  	_ =	shalt  }
0x42: {  	_ =	shalt  }
0x43: {  	_ =	shalt  }
0x44: {  	_ =	shalt  }
0x45: {  	_ =	shalt  }
0x46: {  	_ =	shalt  }
0x47: {  	_ =	shalt  }
0x48: {  	_ =	shalt  }
0x49: {  	_ =	shalt  }
0x4a: {  	_ =	shalt  }
0x4b: {  	_ =	shalt  }
0x4c: {  	_ =	shalt  }
0x4d: {  	_ =	shalt  }
0x4e: {  	_ =	shalt  }
0x4f: {  	_ =	shalt  }
0x50: {  	_ =	shalt  }
0x51: {  	_ =	shalt  }
0x52: {  	_ =	shalt  }
0x53: {  	_ =	shalt  }
0x54: {  	_ =	shalt  }
0x55: {  	_ =	shalt  }
0x56: {  	_ =	shalt  }
0x57: {  	_ =	shalt  }
0x58: {  	_ =	shalt  }
0x59: {  	_ =	shalt  }
0x5a: {  	_ =	shalt  }
0x5b: {  	_ =	shalt  }
0x5c: {  	_ =	shalt  }
0x5d: {  	_ =	shalt  }
0x5e: {  	_ =	shalt  }
0x5f: {  	_ =	shalt  }
0x60: {  	_ =	shalt  }
0x61: {  	_ =	shalt  }
0x62: {  	_ =	shalt  }
0x63: {  	_ =	shalt  }
0x64: {  	_ =	shalt  }
0x65: {  	_ =	shalt  }
0x66: {  	_ =	shalt  }
0x67: {  	_ =	shalt  }
0x68: {  	_ =	shalt  }
0x69: {  	_ =	shalt  }
0x6a: {  	_ =	shalt  }
0x6b: {  	_ =	shalt  }
0x6c: {  	_ =	shalt  }
0x6d: {  	_ =	shalt  }
0x6e: {  	_ =	shalt  }
0x6f: {  	_ =	shalt  }
0x70: {  	_ =	shalt  }
0x71: {  	_ =	shalt  }
0x72: {  	_ =	shalt  }
0x73: {  	_ =	shalt  }
0x74: {  	_ =	shalt  }
0x75: {  	_ =	shalt  }
0x76: {  	_ =	shalt  }
0x77: {  	_ =	shalt  }
0x78: {  	_ =	shalt  }
0x79: {  	_ =	shalt  }
0x7a: {  	_ =	shalt  }
0x7b: {  	_ =	shalt  }
0x7c: {  	_ =	shalt  }
0x7d: {  	_ =	shalt  }
0x7e: {  	_ =	shalt  }
0x7f: {  	_ =	shalt  }
0x80: {  	_ =	shalt  }
0x81: {  	_ =	shalt  }
0x82: {  	_ =	shalt  }
0x83: {  	_ =	shalt  }
0x84: {  	_ =	shalt  }
0x85: {  	_ =	shalt  }
0x86: {  	_ =	shalt  }
0x87: {  	_ =	shalt  }
.Lfunc_end0:
.L_simem_size_0:
called_computation_lowered:
.L_overlay_start_0:
0x88: {  	s2 =	sld [smem:$0x3FD9]  }
0x89: {  	s3 =	sld [smem:$0x3FFE];
	_ =	sdelay $0x1  }
0x8a: {  	s1 =	srdreg.scid  }
0x8b: {  	s0 =	sand.u32 $0x1, s1  }
0x8c: {  	s14 =	sshll.u32 s0, $0xA;
	s2 =	sadd.s32 s3, s2  }
0x8d: {  	s2 =	sadd.s32 s2, s14  }
0x8e: {  	[smem:$0x3FC6] =	sst s2  }
0x8f: {  	_ = 	snop  }
0x90: {  	s2 =	sld [smem:$0x3FD0];
	_ =	sdelay $0x2  }
0x91: {  	s15 =	simm.s32 $0xA;
	s4 =	simm.s32 $0x10  }
0x92: {  	[smem:s4], [sflag:s15] =	dma.local [hbm:s2], $0x1  }
0x93: {  	_ =	swait.eq [sflag:s15], $0x1  }
0x94: {  	[sflag:s15] =	ssyncset.done $0x0  }
0x95: {  	[sflag:s15] =	ssyncadd.s32 $0xFFFFFFFF  }
0x96: {  	s16 =	sld [smem:$0x10];
	(tm) =	ssettm $0x1  }
0x97: {  	s17 =	sld [smem:$0x3FFB];
	_ =	sdelay $0x3  }
0x98: {  	_ =	strace s17  }
0x99: {  	s3 =	sld [smem:$0x3FFC];
	_ =	sdelay $0x3  }
0x9a: {  	_ =	strace s3  }
0x9b: {  	s3 =	sld [smem:$0x3FFD];
	_ =	sdelay $0x3  }
0x9c: {  	_ =	strace s3  }
0x9d: {  	_ =	strace $0x8FFFFFFF  }
0x9e: {  	s18 =	sld [smem:$0x3FDB];
	_ =	sdelay $0x1  }
0x9f: {  	s19 =	simm.s32 $_scs_section_size  }
0xa0: {  	s5 =	simm.s32 $_size__tile_overlayer_lowered;
	s6 =	simm.s32 $_tile_overlayer_lowered  }
0xa1: {  	s22 =	simm.s32 $0x1BFF;
	s21 =	sshll.u32 s6, $0x1;
	s3 =	sadd.s32 s19, s18  }
0xa2: {  	s7 =	simm.s32 $0x0;
	s20 =	sshll.u32 s5, $0x1;
	s5 =	sadd.s32 s21, s3  }
0xa3: {  	[timem:s7], [sflag:s22] =	dma.local [hbm:s5], s20  }
0xa4: {  	_ =	swait.ge [sflag:s22], s20  }
0xa5: {  	s4 =	ssub.s32 $0x0, s20;
	[sflag:s22] =	ssyncset.done $0x0  }
0xa6: {  	[sflag:s22] =	ssyncadd.s32 s4;
	_ =	sdelay $0x1  }
0xa7: {  	s23 =	simm.s32 $0x1B8B  }
0xa8: {  	_ =	swait.ge [sflag:s23], $0x1  }
0xa9: {  	[sflag:s23] =	ssyncset.done $0x0  }
0xaa: {  	s25 =	simm.s32 $0x1B8E;
	s24 =	sld [smem:$0x3FFE];
	[sflag:s23] =	ssyncadd.s32 $0xFFFFFFFF  }
0xab: {  	s26 =	simm.s32 $execute0_lowered;
	[smem:$0x3FD2] =	sst s25  }
0xac: {  	s5 =	sshll.u32 s26, $0x1;
	_ =	strace $0x80000046;
	[dreg:$0x1] =	wrdreg $0xFFFFFFFF  }
0xad: {  	s28 =	simm.s32 $_size_execute0_lowered;
	s3 =	sadd.s32 s3, s5;
	[dreg:$0x0] =	wrdreg $0x0  }
0xae: {  	s5 =	sshll.u32 s28, $0x1;
	[dreg:$0x2] =	wrdreg s3  }
0xaf: {  	[dreg:$0x3] =	wrdreg s5  }
0xb0: {  	[dreg:$0x4] =	wrdreg $0xC0  }
0xb1: {  	_ =	task [dreg:s7], $0x5FFFF  }
0xb2: {  	[dreg:$0x1] =	wrdreg $0xFFFFFFFF  }
0xb3: {  	[dreg:$0x0] =	wrdreg $0x60  }
0xb4: {  	[dreg:$0x2] =	wrdreg s16  }
0xb5: {  	[dreg:$0x3] =	wrdreg s24  }
0xb6: {  	[dreg:$0x4] =	wrdreg $0x9  }
0xb7: {  	_ =	task.clear_ibuf [dreg:s7], $0x5FFFF;
	_ =	strace $0x90000046  }
0xb8: {  	s29 =	simm.s32 $0x9;
	_ =	strace $0x80000048  }
0xb9: {  	_ =	swait.ge [sflag:s29], $0x1  }
0xba: {  	[sflag:s29] =	ssyncadd.s32 $0xFFFFFFFF  }
0xbb: {  	_ =	strace $0x90000048  }
0xbc: {  	_ =	sfence  }
0xbd: {  	s30 =	sld [smem:$0x0];
	_ =	sdelay $0x2  }
0xbe: {  	s31 =	sshll.u32 s1, $0xD;
	s1 =	sshrl.u32 s1, $0x2  }
0xbf: {  	s3 =	sand.u32 $0x4000, s31;
	s1 =	sadd.s32 s1, s30  }
0xc0: {  	s0 =	sor.u32 s3, s0;
	s1 =	sshll.u32 s1, $0x11  }
0xc1: {  	s0 =	sor.u32 s1, s0  }
0xc2: {  	s0 =	sadd.s32 $0x8F2B, s0  }
0xc3: {  	[sflag:s0] =	ssyncadd.remote.s32 $0x1  }
0xc4: {  	_ =	sfence.sel $0xFFFF  }
0xc5: {  	[dreg:$0x0] =	wrdreg $0xFFFFFFFF;
	(pc) =	sbr.abs _section_cstart, $3  }
0xc6: {  	[dreg:$0x1] =	wrdreg $0xFFFFFFFF  }
0xc7: {  	_ =	task.clear_ibuf [dreg:s7], $0x2FFFF;
	_ =	strace $0x9FFFFFFF  }
0xc8: {  	(tm) =	ssettm $0x7FFFFFFF  }
0xc9: {  	_ =	shalt  }
tec
execute0_lowered:
.L_overlay_start_1:
0x0: {  	(tag) =	ssettag $0x1  }
0x1: {  	s1 =	srdreg.scid  }
0x2: {  	s0 =	stileid.u32;
	s6 =	sand.u32 $0x1, s1  }
0x3: {  	s2 =	rddreg [dreg:$0x0];
	s30 =	sshll.u32 s0, $0x9;
	s3 =	sshll.u32 s6, $0x8  }
0x4: {  	s8 =	rddreg [dreg:$0x1];
	s7 =	simm.s32 $0x1;
	s9 =	sor.u32 s3, s30  }
0x5: {  	s1 =	rddreg [dreg:$0x2];
	s3 =	simm.s32 $0x0;
	s4 =	sshrl.u32 s9, $0x3  }
0x6: {  	s10 =	ssub.s32 $0x2, s6;
	[smem:$0x7FF] =	sst s3;
	s4 =	sadd.s32 s4, s8  }
0x7: {  	_ =	strace $0x80000047;
	s5 =	sadd.s32 $0x200, s4;
	s4 =	simm.s32 $0x2  }
0x8: {  	[tilespmem:s3], [sflag:$0x2] =	stream.linear.gather [hbm4b:s5+s3], $0x100, $0x38;
	[tilespmem:$0x8100] =	vst v63  }
0x9: {  	s6 =	simm.s32 $0x100;
	s11 =	sshrl.u32 s10, $0x1;
	_ =	swait.ge [sflag:s4], $0x100  }
0xa: {  	s9 =	sshll.u32 s9, $0x4;
	s31 =	ssub.s32 s10, s11;
	[sflag:s4] =	ssyncset.done $0x0  }
0xb: {  	s8 =	sadd.s32 s9, s8;
	s9 =	smax.u32 s31, $0x1;
	[sflag:s4] =	ssyncadd.s32 $0xFFFFFF00  }
0xc: {  	[tilespmem:s6], [sflag:$0x1] =	stream.indirect.gather [hbm4b:s2+s6], $0x80, s3, s6, $0xb8;
	[tilespmem:$0x8100] =	vst v63  }
0xd: {  	p0 =	sne.s32 s9, $0x1;
	_ =	swait.ge [sflag:s7], $0x8000  }
.Ltmp0:
0xe: {  	[sflag:s7] =	ssyncset.done $0x0;
	(pc) =	sbr.rel @!p0 .LBB2_2-.Ltmp0, $4  }
0xf: {  	s8 =	sadd.s32 $0x600, s8;
	[sflag:s7] =	ssyncadd.s32 $0xFFFF8000  }
0x10: {  	[hbm4b:s8+s3] =	stream.linear.scatter [tilespmem:s6], [sflag:$0x2], $0x8000, $0x38;
	[tilespmem:$0x8100] =	vst v63  }
0x11: {  	_ =	swait.ge [sflag:s4], $0x8000  }
0x12: {  	s9 =	sadd.s32 $0xFFFFFFFF, s9;
	[sflag:s4] =	ssyncset.done $0x0  }
.LBB2_1:
0x13: {  	p0 =	sne.s32 s9, $0x1;
	s9 =	sadd.s32 $0xFFFFFFFF, s9;
	[sflag:s4] =	ssyncadd.s32 $0xFFFF8000  }
0x14: {  	[tilespmem:s3], [sflag:$0x2] =	stream.linear.gather [hbm4b:s5+s3], $0x100, $0x38;
	[tilespmem:$0x8100] =	vst v63  }
0x15: {  	_ =	swait.ge [sflag:s4], $0x100  }
0x16: {  	[sflag:s4] =	ssyncset.done $0x0  }
0x17: {  	[sflag:s4] =	ssyncadd.s32 $0xFFFFFF00  }
0x18: {  	[tilespmem:s6], [sflag:$0x1] =	stream.indirect.gather [hbm4b:s2+s6], $0x80, s3, s6, $0xb8;
	[tilespmem:$0x8100] =	vst v63  }
0x19: {  	_ =	swait.ge [sflag:s7], $0x8000  }
.Ltmp1:
0x1a: {  	[sflag:s7] =	ssyncset.done $0x0;
	(pc) =	sbr.rel @p0 .LBB2_1-.Ltmp1, $4  }
0x1b: {  	[sflag:s7] =	ssyncadd.s32 $0xFFFF8000  }
0x1c: {  	[hbm4b:s8+s3] =	stream.linear.scatter [tilespmem:s6], [sflag:$0x2], $0x8000, $0x38;
	[tilespmem:$0x8100] =	vst v63  }
0x1d: {  	_ =	swait.ge [sflag:s4], $0x8000  }
0x1e: {  	[sflag:s4] =	ssyncset.done $0x0  }
.LBB2_2:
0x1f: {  	[sflag:s4] =	ssyncadd.s32 $0xFFFF8000  }
0x20: {  	_ =	sfence.sel $0x180000  }
0x21: {  	[bflag:$0x0] =	sbarrier.arrive $0xFFFF  }
0x22: {  	p0 =	sne.s32 s0, $0x0;
	_ =	strace $0x90000047  }
0x23: {  	s0 =	sadd.s32 @!p0 $0x100000, s1;
	[bflag:$0x2] =	sbarrier.arrive $0xFFFF  }
0x24: {  	[sflag:s0] =	ssyncadd.tile.s32 @!p0 $0x1;
	_ =	shalt  }
.Lfunc_end2:
_tile_overlayer_lowered:
.L_overlay_start_2:
0x25: {  	(tag) =	ssettag $0x2  }
0x26: {  	s0 =	rddreg [dreg:$0x0];
	s2 =	stileid.u32  }
0x27: {  	s1 =	rddreg [dreg:$0x1];
	p0 =	sne.s32 s2, $0x0  }
0x28: {  	s3 =	rddreg [dreg:$0x2];
	[bflag:$0x3] =	sbarrier.arrive $0xFFFF;
	s2 =	simm.s32 @!p0 $0x1C02  }
0x29: {  	[timem:s3], [sflag:s2] =	dma.local @!p0 [hbm:s0], s1  }
0x2a: {  	s0 =	simm.s32 @!p0 $0x2  }
0x2b: {  	_ =	swait.ge @!p0 [sflag:s0], s1  }
0x2c: {  	s1 =	ssub.s32 @!p0 $0x0, s1;
	[sflag:s0] =	ssyncset.done @!p0 $0x0  }
0x2d: {  	[sflag:s0] =	ssyncadd.s32 @!p0 s1  }
0x2e: {  	[bflag:$0x3] =	sbarrier.arrive $0xFFFF  }
0x2f: {  	_ =	shalt  }

</sc_bundles>
